<compile_context>
chip_gen: v7x
topology: tpu7x:2x2x1
jax: 0.10.2.dev20260603
libtpu: 0.0.44.dev20260713+nightly
codegen_flags: <defaults>
</compile_context>

<pallas_src>
import functools

import jax
import jax.numpy as jnp
from jax import lax
from jax.experimental import pallas as pl
from jax.experimental.pallas import tpu as pltpu
from jax.experimental.pallas import tpu_sc as plsc

_ROWS, _COLS = 16384, 200
_NC, _NS = 2, 16
_NW = _NC * _NS
_TILE = 128
_TPW = _ROWS // _NW // _TILE
_JSTR = 2 * _TILE
_OUT_JSTR = _ROWS * 2
_OSZ = _COLS * _JSTR


def _sc_body(ts_hbm, lab_hbm, out_hbm, t_buf, l_buf, o_buf, sem_t, sem_l, sem_o):
    wid = lax.axis_index("s") * _NC + lax.axis_index("c")

    def in_copies(ci):
        i0 = (wid * _TPW + ci) * _TILE
        return (
            pltpu.make_async_copy(
                ts_hbm.at[:, pl.ds(i0, _TILE)], t_buf, sem_t),
            pltpu.make_async_copy(
                lab_hbm.at[:, pl.ds(i0, _TILE)], l_buf, sem_l),
        )

    def start_in(ci):
        ct, cl = in_copies(ci)
        ct.start()
        cl.start()

    start_in(0)

    def chunk(ci, carry):
        ct, cl = in_copies(ci)
        ct.wait()
        cl.wait()

        @functools.partial(plsc.parallel_loop, 0, _COLS, unroll=2)
        def row(j):
            base = j * _JSTR
            for w in range(_TILE // 16):
                off = 16 * w
                o_buf[pl.ds(base + off, 16)] = t_buf[j, pl.ds(off, 16)]
                o_buf[pl.ds(base + _TILE + off, 16)] = l_buf[j, pl.ds(off, 16)]

        obase = (wid * _TPW + ci) * _JSTR

        def out_copy(j):
            return pltpu.make_async_copy(
                o_buf.at[pl.ds(j * _JSTR, _JSTR)],
                out_hbm.at[pl.ds(j * _OUT_JSTR + obase, _JSTR)],
                sem_o)

        def out_start(j, jcarry):
            out_copy(j).start()
            return jcarry

        lax.fori_loop(0, _COLS, out_start, 0)

        @pl.when(ci + 1 < _TPW)
        def _():
            start_in(ci + 1)

        def out_wait(j, jcarry):
            out_copy(j).wait()
            return jcarry

        lax.fori_loop(0, _COLS, out_wait, 0)
        return carry

    lax.fori_loop(0, _TPW, chunk, 0)


def kernel(timestamps, labels, seq_lens):
    mesh = plsc.VectorSubcoreMesh(
        core_axis_name="c", subcore_axis_name="s",
        num_cores=_NC, num_subcores=_NS)
    flat = pl.kernel(
        _sc_body,
        out_type=jax.ShapeDtypeStruct((_ROWS * 2 * _COLS,), timestamps.dtype),
        mesh=mesh,
        compiler_params=pltpu.CompilerParams(
            use_tc_tiling_on_sc=True, needs_layout_passes=False),
        scratch_types=[
            pltpu.VMEM((_COLS, _TILE), jnp.float32),
            pltpu.VMEM((_COLS, _TILE), jnp.float32),
            pltpu.VMEM((_OSZ,), jnp.float32),
            pltpu.SemaphoreType.DMA,
            pltpu.SemaphoreType.DMA,
            pltpu.SemaphoreType.DMA,
        ],
    )(timestamps.T, labels.T)
    payload = (flat.reshape(_COLS, _ROWS // _TILE, 2, _TILE)
               .transpose(1, 3, 0, 2)
               .reshape(_ROWS, _COLS, 2))
    return (payload, seq_lens)

# --- scband reference (transcript-rebuilt; emitter-appended) ---
"""Pipeline reference for scband-simple-encoder-44933947851336 (READ-ONLY COPY).

The authoritative reference and input builder live on the scoring server;
editing this copy changes nothing except your own understanding.
"""

import jax, jax.numpy as jnp
import numpy as np


def setup_inputs(seed: int = 0) -> dict:
    key = jax.random.key(seed)
    k1, k2, k3 = jax.random.split(key, 3)
    timestamps = jax.random.normal(k1, (16384, 200), dtype=jnp.float32)
    labels = jax.random.uniform(k2, (16384, 200), dtype=jnp.float32)
    seq_lens = jax.random.randint(k3, (16384,), 0, 200).astype(jnp.int32)
    return {"timestamps": timestamps, "labels": labels, "seq_lens": seq_lens}


def reference(timestamps, labels, seq_lens):
    # forward: payload = stack([x.payload['timestamps'], x.payload['labels']], -1)
    # returns PaddedBatch(payload, x.seq_lens) -> (payload, seq_lens)
    payload = jnp.stack([timestamps, labels], -1)
    return (payload, seq_lens)

if __name__ == "__main__":
    import jax
    _d = setup_inputs()
    print(jax.jit(kernel)(*tuple(_d.values())))

</pallas_src>

<mosaic_0001>
#map = affine_map<(d0, d1) -> (0, 0)>
#map1 = affine_map<(d0, d1) -> (0)>
module attributes {stable_mosaic.version = 14 : i64} {
  func.func @_sc_body(%arg0: i32, %arg1: i32, %arg2: memref<200x16384xf32, #tpu.memory_space<hbm>>, %arg3: memref<200x16384xf32, #tpu.memory_space<hbm>>, %arg4: memref<6553600xf32, #tpu.memory_space<hbm>>, %arg5: memref<200x128xf32, #tpu.memory_space<vmem>>, %arg6: memref<200x128xf32, #tpu.memory_space<vmem>>, %arg7: memref<51200xf32, #tpu.memory_space<vmem>>, %arg8: memref<!tpu.dma_semaphore, #tpu.memory_space<semaphore_mem>>, %arg9: memref<!tpu.dma_semaphore, #tpu.memory_space<semaphore_mem>>, %arg10: memref<!tpu.dma_semaphore, #tpu.memory_space<semaphore_mem>>) attributes {dimension_semantics = [#tpu.dimension_semantics<core_parallel>, #tpu.dimension_semantics<subcore_parallel>], iteration_bounds = array<i64: 2, 16>, scalar_prefetch = 0 : i64, scratch_operands = 6 : i64, tpu.core_type = #tpu.core_type<sc_vector_subcore>, window_params = [{transform_indices = #map}, {transform_indices = #map}, {transform_indices = #map1}]} {
    %mul3A = arith.constant 2 : i32
    %mul3A_0 = arith.muli %arg1, %mul3A : i32
    %add3A = arith.addi %mul3A_0, %arg0 : i32
    %mul3A_1 = arith.constant 4 : i32
    %mul3A_2 = arith.muli %add3A, %mul3A_1 : i32
    %add3A_3 = arith.constant 0 : i32
    %add3A_4 = arith.addi %mul3A_2, %add3A_3 : i32
    %mul3A_5 = arith.constant 128 : i32
    %mul3A_6 = arith.muli %add3A_4, %mul3A_5 : i32
    %dma_start3A = arith.constant 0 : i32
    %dma_start3A_7 = tpu.memref_slice %arg2[%dma_start3A, %mul3A_6] : memref<200x16384xf32, #tpu.memory_space<hbm>> -> memref<200x128xf32, #tpu.memory_space<hbm>>
    %dma_start3A_8 = arith.constant 0 : i32
    %dma_start3A_9 = tpu.memref_slice %arg2[%dma_start3A_8, %mul3A_6] : memref<200x16384xf32, #tpu.memory_space<hbm>> -> memref<200x128xf32, #tpu.memory_space<hbm>>
    tpu.enqueue_dma source(%dma_start3A_9 : memref<200x128xf32, #tpu.memory_space<hbm>>) target(%arg5 : memref<200x128xf32, #tpu.memory_space<vmem>>) target_semaphore(%arg8 : memref<!tpu.dma_semaphore, #tpu.memory_space<semaphore_mem>>)
    %dma_start3A_10 = arith.constant 0 : i32
    %dma_start3A_11 = tpu.memref_slice %arg3[%dma_start3A_10, %mul3A_6] : memref<200x16384xf32, #tpu.memory_space<hbm>> -> memref<200x128xf32, #tpu.memory_space<hbm>>
    %dma_start3A_12 = arith.constant 0 : i32
    %dma_start3A_13 = tpu.memref_slice %arg3[%dma_start3A_12, %mul3A_6] : memref<200x16384xf32, #tpu.memory_space<hbm>> -> memref<200x128xf32, #tpu.memory_space<hbm>>
    tpu.enqueue_dma source(%dma_start3A_13 : memref<200x128xf32, #tpu.memory_space<hbm>>) target(%arg6 : memref<200x128xf32, #tpu.memory_space<vmem>>) target_semaphore(%arg9 : memref<!tpu.dma_semaphore, #tpu.memory_space<semaphore_mem>>)
    %scan3A = arith.constant 0 : i32
    %scan3A_14 = arith.constant 0 : i32
    %scan3A_15 = arith.constant 4 : i32
    %scan3A_16 = arith.addi %scan3A_14, %scan3A_15 : i32
    %scan3A_17 = arith.constant 1 : i32
    scf.for %scan3A_19 = %scan3A_14 to %scan3A_16 step %scan3A_17  : i32 {
      %mul3A_20 = arith.constant 4 : i32
      %mul3A_21 = arith.muli %add3A, %mul3A_20 : i32
      %add3A_22 = arith.addi %mul3A_21, %scan3A_19 : i32
      %mul3A_23 = arith.constant 128 : i32
      %mul3A_24 = arith.muli %add3A_22, %mul3A_23 : i32
      %dma_wait3A = arith.constant 0 : i32
      %dma_wait3A_25 = tpu.memref_slice %arg2[%dma_wait3A, %mul3A_24] : memref<200x16384xf32, #tpu.memory_space<hbm>> -> memref<200x128xf32, #tpu.memory_space<hbm>>
      %dma_wait3A_26 = arith.constant 0 : i32
      %dma_wait3A_27 = tpu.memref_slice %arg2[%dma_wait3A_26, %mul3A_24] : memref<200x16384xf32, #tpu.memory_space<hbm>> -> memref<200x128xf32, #tpu.memory_space<hbm>>
      tpu.wait_dma2 semaphore(%arg8 : memref<!tpu.dma_semaphore, #tpu.memory_space<semaphore_mem>>) src(%dma_wait3A_27 : memref<200x128xf32, #tpu.memory_space<hbm>>) dst(%arg5 : memref<200x128xf32, #tpu.memory_space<vmem>>)
      %dma_wait3A_28 = arith.constant 0 : i32
      %dma_wait3A_29 = tpu.memref_slice %arg3[%dma_wait3A_28, %mul3A_24] : memref<200x16384xf32, #tpu.memory_space<hbm>> -> memref<200x128xf32, #tpu.memory_space<hbm>>
      %dma_wait3A_30 = arith.constant 0 : i32
      %dma_wait3A_31 = tpu.memref_slice %arg3[%dma_wait3A_30, %mul3A_24] : memref<200x16384xf32, #tpu.memory_space<hbm>> -> memref<200x128xf32, #tpu.memory_space<hbm>>
      tpu.wait_dma2 semaphore(%arg9 : memref<!tpu.dma_semaphore, #tpu.memory_space<semaphore_mem>>) src(%dma_wait3A_31 : memref<200x128xf32, #tpu.memory_space<hbm>>) dst(%arg6 : memref<200x128xf32, #tpu.memory_space<vmem>>)
      %mul3A_32 = arith.constant 4 : i32
      %mul3A_33 = arith.muli %add3A, %mul3A_32 : i32
      %add3A_34 = arith.addi %mul3A_33, %scan3A_19 : i32
      %mul3A_35 = arith.constant 256 : i32
      %mul3A_36 = arith.muli %add3A_34, %mul3A_35 : i32
      %scan3A_37 = arith.constant 0 : i32
      %scan3A_38 = arith.constant 0 : i32
      %scan3A_39 = arith.constant 200 : i32
      %scan3A_40 = arith.addi %scan3A_38, %scan3A_39 : i32
      %scan3A_41 = arith.constant 1 : i32
      scf.for %scan3A_53 = %scan3A_38 to %scan3A_40 step %scan3A_41  : i32 {
        %mul3A_54 = arith.constant 256 : i32
        %mul3A_55 = arith.muli %scan3A_53, %mul3A_54 : i32
        %mul3A_56 = arith.constant 32768 : i32
        %mul3A_57 = arith.muli %scan3A_53, %mul3A_56 : i32
        %add3A_58 = arith.addi %mul3A_57, %mul3A_36 : i32
        %dma_start3A_59 = tpu.memref_slice %arg7[%mul3A_55] : memref<51200xf32, #tpu.memory_space<vmem>> -> memref<256xf32, #tpu.memory_space<vmem>>
        %dma_start3A_60 = tpu.memref_slice %arg4[%add3A_58] : memref<6553600xf32, #tpu.memory_space<hbm>> -> memref<256xf32, #tpu.memory_space<hbm>>
        %dma_start3A_61 = tpu.memref_slice %arg4[%add3A_58] : memref<6553600xf32, #tpu.memory_space<hbm>> -> memref<256xf32, #tpu.memory_space<hbm>>
        %dma_start3A_62 = tpu.memref_slice %arg7[%mul3A_55] : memref<51200xf32, #tpu.memory_space<vmem>> -> memref<256xf32, #tpu.memory_space<vmem>>
        tpu.enqueue_dma source(%dma_start3A_62 : memref<256xf32, #tpu.memory_space<vmem>>) target(%dma_start3A_61 : memref<256xf32, #tpu.memory_space<hbm>>) target_semaphore(%arg10 : memref<!tpu.dma_semaphore, #tpu.memory_space<semaphore_mem>>)
      }
      %scan3A_42 = arith.constant 200 : i32
      %add3A_43 = arith.constant 1 : i32
      %add3A_44 = arith.addi %scan3A_19, %add3A_43 : i32
      %lt3A = arith.constant 4 : i32
      %lt3A_45 = arith.cmpi slt, %add3A_44, %lt3A : i32
      %convert_element_type3A = arith.extui %lt3A_45 : i1 to i32
      %cond3A = arith.constant 0 : i32
      %cond3A_46 = arith.cmpi ne, %convert_element_type3A, %cond3A : i32
      scf.if %cond3A_46 {
        %add3A_53 = arith.constant 1 : i32
        %add3A_54 = arith.addi %scan3A_19, %add3A_53 : i32
        %mul3A_55 = arith.constant 4 : i32
        %mul3A_56 = arith.muli %add3A, %mul3A_55 : i32
        %add3A_57 = arith.addi %mul3A_56, %add3A_54 : i32
        %mul3A_58 = arith.constant 128 : i32
        %mul3A_59 = arith.muli %add3A_57, %mul3A_58 : i32
        %dma_start3A_60 = arith.constant 0 : i32
        %dma_start3A_61 = tpu.memref_slice %arg2[%dma_start3A_60, %mul3A_59] : memref<200x16384xf32, #tpu.memory_space<hbm>> -> memref<200x128xf32, #tpu.memory_space<hbm>>
        %dma_start3A_62 = arith.constant 0 : i32
        %dma_start3A_63 = tpu.memref_slice %arg2[%dma_start3A_62, %mul3A_59] : memref<200x16384xf32, #tpu.memory_space<hbm>> -> memref<200x128xf32, #tpu.memory_space<hbm>>
        tpu.enqueue_dma source(%dma_start3A_63 : memref<200x128xf32, #tpu.memory_space<hbm>>) target(%arg5 : memref<200x128xf32, #tpu.memory_space<vmem>>) target_semaphore(%arg8 : memref<!tpu.dma_semaphore, #tpu.memory_space<semaphore_mem>>)
        %dma_start3A_64 = arith.constant 0 : i32
        %dma_start3A_65 = tpu.memref_slice %arg3[%dma_start3A_64, %mul3A_59] : memref<200x16384xf32, #tpu.memory_space<hbm>> -> memref<200x128xf32, #tpu.memory_space<hbm>>
        %dma_start3A_66 = arith.constant 0 : i32
        %dma_start3A_67 = tpu.memref_slice %arg3[%dma_start3A_66, %mul3A_59] : memref<200x16384xf32, #tpu.memory_space<hbm>> -> memref<200x128xf32, #tpu.memory_space<hbm>>
        tpu.enqueue_dma source(%dma_start3A_67 : memref<200x128xf32, #tpu.memory_space<hbm>>) target(%arg6 : memref<200x128xf32, #tpu.memory_space<vmem>>) target_semaphore(%arg9 : memref<!tpu.dma_semaphore, #tpu.memory_space<semaphore_mem>>)
      } else {
      }
      %scan3A_47 = arith.constant 0 : i32
      %scan3A_48 = arith.constant 0 : i32
      %scan3A_49 = arith.constant 200 : i32
      %scan3A_50 = arith.addi %scan3A_48, %scan3A_49 : i32
      %scan3A_51 = arith.constant 1 : i32
      scf.for %scan3A_53 = %scan3A_48 to %scan3A_50 step %scan3A_51  : i32 {
        %mul3A_54 = arith.constant 256 : i32
        %mul3A_55 = arith.muli %scan3A_53, %mul3A_54 : i32
        %mul3A_56 = arith.constant 32768 : i32
        %mul3A_57 = arith.muli %scan3A_53, %mul3A_56 : i32
        %add3A_58 = arith.addi %mul3A_57, %mul3A_36 : i32
        %dma_wait3A_59 = tpu.memref_slice %arg7[%mul3A_55] : memref<51200xf32, #tpu.memory_space<vmem>> -> memref<256xf32, #tpu.memory_space<vmem>>
        %dma_wait3A_60 = tpu.memref_slice %arg4[%add3A_58] : memref<6553600xf32, #tpu.memory_space<hbm>> -> memref<256xf32, #tpu.memory_space<hbm>>
        %dma_wait3A_61 = tpu.memref_slice %arg4[%add3A_58] : memref<6553600xf32, #tpu.memory_space<hbm>> -> memref<256xf32, #tpu.memory_space<hbm>>
        %dma_wait3A_62 = tpu.memref_slice %arg7[%mul3A_55] : memref<51200xf32, #tpu.memory_space<vmem>> -> memref<256xf32, #tpu.memory_space<vmem>>
        tpu.wait_dma2 semaphore(%arg10 : memref<!tpu.dma_semaphore, #tpu.memory_space<semaphore_mem>>) src(%dma_wait3A_62 : memref<256xf32, #tpu.memory_space<vmem>>) dst(%dma_wait3A_61 : memref<256xf32, #tpu.memory_space<hbm>>)
      }
      %scan3A_52 = arith.constant 200 : i32
    }
    %scan3A_18 = arith.constant 4 : i32
    return
  }
}

</mosaic_0001>

<sc_bundles>
// kernel: kernel.3.cloned.1.call-start
scs
__scs_entry_jumppad:
0x0: {  	(pc) =	sbr.rel $0x88, $3  }
0x1: {  	(tag) =	ssettag $0x0;
	lr =	simm.s32 $0x1  }
0x2: {  	[smem:$0x3F9E] =	sst lr;
	_ =	strace $0xD0000000  }
0x3: {  	_ = 	snop  }
0x4: {  	_ = 	snop  }
0x5: {  	_ = 	snop  }
0x6: {  	_ = 	snop  }
0x7: {  	_ = 	snop  }
__scs_overlays_trampoline_lowered:
0x8: {  	[smem:$0x3FAD] =	sst s0  }
0x9: {  	[smem:$0x3FAE] =	sst s1  }
0xa: {  	[smem:$0x3FAF] =	sst s2  }
0xb: {  	[smem:$0x3FB0] =	sst s3  }
0xc: {  	[smem:$0x3FB1] =	sst s4  }
0xd: {  	[smem:$0x3FB2] =	sst s5  }
0xe: {  	[smem:$0x3FB3] =	sst s6  }
0xf: {  	[smem:$0x3FB4] =	sst s7  }
0x10: {  	[smem:$0x3FB5] =	sst s8  }
0x11: {  	[smem:$0x3FB6] =	sst s9;
	s0 =	simm.s32 @!p0 $0x0  }
0x12: {  	s1 =	sld [smem:$0x3F9C];
	s0 =	simm.s32 @p0 $0x1  }
0x13: {  	[smem:$0x3FB7] =	sst s0;
	s0 =	simm.s32 @!p1 $0x0  }
0x14: {  	s2 =	sld [smem:$0x3F9B];
	s0 =	simm.s32 @p1 $0x1  }
0x15: {  	[smem:$0x3FB8] =	sst s0;
	s0 =	simm.s32 @!p2 $0x0  }
0x16: {  	s3 =	sld [smem:$0x3FDB];
	s0 =	simm.s32 @p2 $0x1  }
0x17: {  	s4 =	simm.s32 $0x1BF5;
	[smem:$0x3FBA] =	sst s0  }
0x18: {  	s0 =	sld [smem:$0x3F9D];
	_ =	swait.ge [sflag:s4], $0x0  }
0x19: {  	s7 =	sld [smem:$0x3F9E]  }
0x1a: {  	s8 =	sadd.s32 $0xFFFFE003, lr  }
0x1b: {  	s9 =	sadd.s32 $0xFFFFFEF7, lr;
	s5 =	simm.s32 $0xFFFFFFFF;
	p2 =	slt.u32 s8, $0xFFFFF086  }
0x1c: {  	p1 =	slt.u32 s9, $0xF7A;
	s5 =	simm.s32 @!p2 $0x0  }
0x1d: {  	s5 =	simm.s32 @p1 $0x1;
	p0 =	seq.s32 s7, s2  }
0x1e: {  	s7 =	smul.u32 @!p0 $0xF7A, s2;
	p2 =	seq.s32 @!p0 s5, $0x0  }
0x1f: {  	s9 =	smul.u32 $0xF7A, s1;
	s8 =	simm.s32 @!p0 $0x1BF5;
	p2 =	por !p2, p0  }
0x20: {  	[sflag:s8] =	ssyncset.s32 @!p0 $0xFFFFF086;
	s6 =	sadd.s32 @!p0 s3, s7;
	s7 =	simm.s32 @!p0 $0x108  }
0x21: {  	s3 =	sadd.s32 s3, s9;
	s6 =	sadd.s32 @!p0 $0x88, s6;
	s7 =	simm.s32 @p2 $0x1082  }
0x22: {  	[simem:s7], [sflag:s8] =	dma.local @!p0 [hbm:s6], $0xF7A  }
0x23: {  	s9 =	sor.u32 $0xD0000000, s2;
	s6 =	simm.s32 $0x108;
	_ =	swait.ge @!p0 [sflag:s8], $0x0  }
0x24: {  	s3 =	sadd.s32 $0x88, s3;
	s6 =	simm.s32 @!p1 $0x1082;
	[sflag:s4] =	ssyncset.s32 $0xFFFFF086  }
0x25: {  	[simem:s6], [sflag:s4] =	dma.local [hbm:s3], $0xF7A  }
0x26: {  	[smem:$0x3F9E] =	sst s1;
	(tag) =	ssettag s2;
	_ =	strace s9  }
0x27: {  	s1 =	sld [smem:$0x3FAE]  }
0x28: {  	s2 =	sld [smem:$0x3FAF]  }
0x29: {  	s4 =	sld [smem:$0x3FB1]  }
0x2a: {  	p0 =	seq.s32 s5, $0x0;
	s5 =	sld [smem:$0x3FB2]  }
0x2b: {  	s6 =	sld [smem:$0x3FB3]  }
0x2c: {  	s7 =	sld [smem:$0x3FB4]  }
0x2d: {  	s3 =	simm.s32 $0x108;
	s8 =	sld [smem:$0x3FB5]  }
0x2e: {  	s3 =	simm.s32 @!p0 $0x1082;
	s9 =	sld [smem:$0x3FB6]  }
0x2f: {  	lr =	sadd.s32 s0, s3;
	s0 =	sld [smem:$0x3FAD]  }
0x30: {  	s3 =	sld [smem:$0x3FB0]  }
0x31: {  	[smem:$0x3FB9] =	sst s10  }
0x32: {  	s10 =	sld [smem:$0x3FB7];
	_ =	sdelay $0x3  }
0x33: {  	p0 =	seq.s32 s10, $0x1;
	s10 =	sld [smem:$0x3FB9];
	_ =	sdelay $0x3  }
0x34: {  	[smem:$0x3FB9] =	sst s10  }
0x35: {  	s10 =	sld [smem:$0x3FB8];
	_ =	sdelay $0x3  }
0x36: {  	p1 =	seq.s32 s10, $0x1;
	s10 =	sld [smem:$0x3FB9];
	_ =	sdelay $0x3  }
0x37: {  	[smem:$0x3FB9] =	sst s10  }
0x38: {  	s10 =	sld [smem:$0x3FBA]  }
0x39: {  	_ = 	snop;
	(pc) =	sbr.ind lr, $3  }
0x3a: {  	_ = 	snop  }
0x3b: {  	_ = 	snop  }
0x3c: {  	p2 =	seq.s32 s10, $0x1;
	s10 =	sld [smem:$0x3FB9]  }
0x3d: {  	_ =	shalt  }
0x3e: {  	_ =	shalt  }
0x3f: {  	_ =	shalt  }
0x40: {  	_ =	shalt  }
0x41: {  	_ =	shalt  }
0x42: {  	_ =	shalt  }
0x43: {  	_ =	shalt  }
0x44: {  	_ =	shalt  }
0x45: {  	_ =	shalt  }
0x46: {  	_ =	shalt  }
0x47: {  	_ =	shalt  }
0x48: {  	_ =	shalt  }
0x49: {  	_ =	shalt  }
0x4a: {  	_ =	shalt  }
0x4b: {  	_ =	shalt  }
0x4c: {  	_ =	shalt  }
0x4d: {  	_ =	shalt  }
0x4e: {  	_ =	shalt  }
0x4f: {  	_ =	shalt  }
0x50: {  	_ =	shalt  }
0x51: {  	_ =	shalt  }
0x52: {  	_ =	shalt  }
0x53: {  	_ =	shalt  }
0x54: {  	_ =	shalt  }
0x55: {  	_ =	shalt  }
0x56: {  	_ =	shalt  }
0x57: {  	_ =	shalt  }
0x58: {  	_ =	shalt  }
0x59: {  	_ =	shalt  }
0x5a: {  	_ =	shalt  }
0x5b: {  	_ =	shalt  }
0x5c: {  	_ =	shalt  }
0x5d: {  	_ =	shalt  }
0x5e: {  	_ =	shalt  }
0x5f: {  	_ =	shalt  }
0x60: {  	_ =	shalt  }
0x61: {  	_ =	shalt  }
0x62: {  	_ =	shalt  }
0x63: {  	_ =	shalt  }
0x64: {  	_ =	shalt  }
0x65: {  	_ =	shalt  }
0x66: {  	_ =	shalt  }
0x67: {  	_ =	shalt  }
0x68: {  	_ =	shalt  }
0x69: {  	_ =	shalt  }
0x6a: {  	_ =	shalt  }
0x6b: {  	_ =	shalt  }
0x6c: {  	_ =	shalt  }
0x6d: {  	_ =	shalt  }
0x6e: {  	_ =	shalt  }
0x6f: {  	_ =	shalt  }
0x70: {  	_ =	shalt  }
0x71: {  	_ =	shalt  }
0x72: {  	_ =	shalt  }
0x73: {  	_ =	shalt  }
0x74: {  	_ =	shalt  }
0x75: {  	_ =	shalt  }
0x76: {  	_ =	shalt  }
0x77: {  	_ =	shalt  }
0x78: {  	_ =	shalt  }
0x79: {  	_ =	shalt  }
0x7a: {  	_ =	shalt  }
0x7b: {  	_ =	shalt  }
0x7c: {  	_ =	shalt  }
0x7d: {  	_ =	shalt  }
0x7e: {  	_ =	shalt  }
0x7f: {  	_ =	shalt  }
0x80: {  	_ =	shalt  }
0x81: {  	_ =	shalt  }
0x82: {  	_ =	shalt  }
0x83: {  	_ =	shalt  }
0x84: {  	_ =	shalt  }
0x85: {  	_ =	shalt  }
0x86: {  	_ =	shalt  }
0x87: {  	_ =	shalt  }
.Lfunc_end0:
.L_simem_size_0:
called_computation_lowered:
.L_overlay_start_0:
0x88: {  	s2 =	sld [smem:$0x3FD9]  }
0x89: {  	s3 =	sld [smem:$0x3FFE];
	_ =	sdelay $0x1  }
0x8a: {  	s1 =	srdreg.scid  }
0x8b: {  	s0 =	sand.u32 $0x1, s1  }
0x8c: {  	s15 =	sshll.u32 s0, $0xA;
	s2 =	sadd.s32 s3, s2  }
0x8d: {  	s2 =	sadd.s32 s2, s15  }
0x8e: {  	[smem:$0x3FC5] =	sst s2  }
0x8f: {  	_ = 	snop  }
0x90: {  	s2 =	sld [smem:$0x3FD0];
	_ =	sdelay $0x1  }
0x91: {  	s16 =	sld [smem:$0x3FC9]  }
0x92: {  	s5 =	simm.s32 $0xA;
	s6 =	simm.s32 $0x10;
	s4 =	sld [smem:$0x3FC8]  }
0x93: {  	[smem:s6], [sflag:s5] =	dma.local [hbm:s2], $0x1  }
0x94: {  	_ =	swait.eq [sflag:s5], $0x1  }
0x95: {  	[sflag:s5] =	ssyncset.done $0x0  }
0x96: {  	[sflag:s5] =	ssyncadd.s32 $0xFFFFFFFF  }
0x97: {  	s17 =	sld [smem:$0x10];
	(tm) =	ssettm $0x1  }
0x98: {  	s18 =	sld [smem:$0x3FFB];
	_ =	sdelay $0x3  }
0x99: {  	_ =	strace s18  }
0x9a: {  	s5 =	sld [smem:$0x3FFC];
	_ =	sdelay $0x3  }
0x9b: {  	_ =	strace s5  }
0x9c: {  	s5 =	sld [smem:$0x3FFD];
	_ =	sdelay $0x3  }
0x9d: {  	_ =	strace s5  }
0x9e: {  	_ =	strace $0x8FFFFFFF  }
0x9f: {  	s19 =	sld [smem:$0x3FDB];
	_ =	sdelay $0x1  }
0xa0: {  	s20 =	simm.s32 $_scs_section_size  }
0xa1: {  	s7 =	simm.s32 $_size__tile_overlayer_lowered;
	s8 =	simm.s32 $_tile_overlayer_lowered  }
0xa2: {  	s23 =	simm.s32 $0x1BFF;
	s22 =	sshll.u32 s8, $0x1;
	s5 =	sadd.s32 s20, s19  }
0xa3: {  	s9 =	simm.s32 $0x0;
	s21 =	sshll.u32 s7, $0x1;
	s7 =	sadd.s32 s22, s5  }
0xa4: {  	[timem:s9], [sflag:s23] =	dma.local [hbm:s7], s21  }
0xa5: {  	_ =	swait.ge [sflag:s23], s21  }
0xa6: {  	s6 =	ssub.s32 $0x0, s21;
	[sflag:s23] =	ssyncset.done $0x0  }
0xa7: {  	[sflag:s23] =	ssyncadd.s32 s6;
	_ =	sdelay $0x1  }
0xa8: {  	s24 =	simm.s32 $0x1B8B  }
0xa9: {  	_ =	swait.ge [sflag:s24], $0x1  }
0xaa: {  	[sflag:s24] =	ssyncset.done $0x0  }
0xab: {  	s25 =	simm.s32 $0x1B8E;
	[sflag:s24] =	ssyncadd.s32 $0xFFFFFFFF  }
0xac: {  	s26 =	simm.s32 $execute0_lowered;
	[smem:$0x3FD2] =	sst s25  }
0xad: {  	s6 =	sshll.u32 s26, $0x1;
	_ =	strace $0x80000046;
	[dreg:$0x1] =	wrdreg $0xFFFFFFFF  }
0xae: {  	s28 =	simm.s32 $_size_execute0_lowered;
	s5 =	sadd.s32 s5, s6;
	[dreg:$0x0] =	wrdreg $0x0  }
0xaf: {  	s6 =	sshll.u32 s28, $0x1;
	[dreg:$0x2] =	wrdreg s5  }
0xb0: {  	[dreg:$0x3] =	wrdreg s6  }
0xb1: {  	[dreg:$0x4] =	wrdreg $0xC0  }
0xb2: {  	_ =	task [dreg:s9], $0x5FFFF  }
0xb3: {  	[dreg:$0x1] =	wrdreg $0xFFFFFFFF  }
0xb4: {  	[dreg:$0x0] =	wrdreg $0x60  }
0xb5: {  	[dreg:$0x2] =	wrdreg s16  }
0xb6: {  	[dreg:$0x3] =	wrdreg s4  }
0xb7: {  	[dreg:$0x4] =	wrdreg s17  }
0xb8: {  	[dreg:$0x5] =	wrdreg $0x9  }
0xb9: {  	_ =	task.clear_ibuf [dreg:s9], $0x6FFFF;
	_ =	strace $0x90000046  }
0xba: {  	s29 =	simm.s32 $0x9;
	_ =	strace $0x80000048  }
0xbb: {  	_ =	swait.ge [sflag:s29], $0x1  }
0xbc: {  	[sflag:s29] =	ssyncadd.s32 $0xFFFFFFFF  }
0xbd: {  	_ =	strace $0x90000048  }
0xbe: {  	_ =	sfence  }
0xbf: {  	s30 =	sld [smem:$0x0];
	_ =	sdelay $0x2  }
0xc0: {  	s31 =	sshll.u32 s1, $0xD;
	s1 =	sshrl.u32 s1, $0x2  }
0xc1: {  	s3 =	sand.u32 $0x4000, s31;
	s1 =	sadd.s32 s1, s30  }
0xc2: {  	s0 =	sor.u32 s3, s0;
	s1 =	sshll.u32 s1, $0x11  }
0xc3: {  	s0 =	sor.u32 s1, s0  }
0xc4: {  	s0 =	sadd.s32 $0x8F2B, s0  }
0xc5: {  	[sflag:s0] =	ssyncadd.remote.s32 $0x1  }
0xc6: {  	_ =	sfence.sel $0xFFFF  }
0xc7: {  	[dreg:$0x0] =	wrdreg $0xFFFFFFFF;
	(pc) =	sbr.abs _section_cstart, $3  }
0xc8: {  	[dreg:$0x1] =	wrdreg $0xFFFFFFFF  }
0xc9: {  	_ =	task.clear_ibuf [dreg:s9], $0x2FFFF;
	_ =	strace $0x9FFFFFFF  }
0xca: {  	(tm) =	ssettm $0x7FFFFFFF  }
0xcb: {  	_ =	shalt  }
tec
execute0_lowered:
.L_overlay_start_1:
0x0: {  	(tag) =	ssettag $0x1  }
0x1: {  	s1 =	rddreg [dreg:$0x0]  }
0x2: {  	s3 =	rddreg [dreg:$0x1]  }
0x3: {  	s8 =	rddreg [dreg:$0x2];
	s4 =	srdreg.scid  }
0x4: {  	s0 =	rddreg [dreg:$0x3];
	s2 =	stileid.u32;
	s13 =	simm.s32 $0x1  }
0x5: {  	s14 =	simm.s32 $0x2;
	s15 =	simm.s32 $0x3;
	s16 =	simm.s32 $0x0  }
0x6: {  	s9 =	sand.u32 $0x1, s4;
	s4 =	simm.s32 $0x0;
	s6 =	sshll.u32 s2, $0x1  }
0x7: {  	s12 =	sshll.u32 s2, $0x8;
	s5 =	ssub.s32 $0x2, s9;
	[smem:$0x7FF] =	sst s4  }
0x8: {  	s10 =	sor.u32 s9, s6;
	s31 =	sadd.s32 s12, s8;
	s9 =	sshll.u32 s9, $0x7  }
0x9: {  	s12 =	simm.s32 $0x6400;
	s7 =	sshrl.u32 s5, $0x1;
	_ =	strace $0x80000047  }
0xa: {  	s6 =	sshll.u32 s10, $0x9;
	s9 =	sadd.s32 s9, s31;
	s11 =	ssub.s32 s5, s7  }
0xb: {  	s5 =	sadd.s32 s1, s6;
	s6 =	sadd.s32 s3, s6;
	s7 =	sshll.u32 s10, $0x2  }
0xc: {  	s10 =	simm.s32 $0x400;
	s8 =	smax.u32 s11, $0x1;
	s11 =	simm.s32 $0x20000  }
.LBB2_1:
0xd: {  	[tilespmem:s4], [sflag:$0x1] =	stream.strided.gather [hbm4b:s5+s10], $0x6400, s11, s10, $0x38;
	[tilespmem:$0x19000] =	vst v63  }
0xe: {  	s17 =	smov.u32 s9;
	s18 =	simm.s32 $0x0  }
0xf: {  	[tilespmem:s12], [sflag:$0x2] =	stream.strided.gather [hbm4b:s6+s10], $0x6400, s11, s10, $0x38;
	[tilespmem:$0x19000] =	vst v63  }
.LBB2_3:
0x10: {  	_ =	swait.ge [sflag:s13], $0x6400  }
0x11: {  	[sflag:s13] =	ssyncset.done $0x0  }
0x12: {  	[sflag:s13] =	ssyncadd.s32 $0xFFFF9C00  }
0x13: {  	_ =	swait.ge [sflag:s14], $0x6400  }
0x14: {  	[sflag:s14] =	ssyncset.done $0x0  }
0x15: {  	s19 =	simm.s32 $0xC800;
	[sflag:s14] =	ssyncadd.s32 $0xFFFF9C00  }
0x16: {  	[hbm4b:s17+s4] =	stream.linear.scatter [tilespmem:s19], [sflag:$0x3], $0x100, $0x38;
	[tilespmem:$0x19000] =	vst v63  }
0x17: {  	s20 =	smov.u32 s17;
	s19 =	smov.u32 s18;
	s18 =	simm.s32 $0x400  }
.LBB2_4:
0x18: {  	p0 =	sne.s32 s18, $0x31C00  }
.Ltmp0:
0x19: {  	_ = 	snop;
	(pc) =	sbr.rel @p0 .LBB2_4-.Ltmp0, $4  }
0x1a: {  	_ = 	snop  }
0x1b: {  	s21 =	sshra.s32 s18, $0x2;
	s18 =	sadd.s32 $0x400, s18  }
0x1c: {  	s20 =	sadd.s32 $0x1000, s20;
	s21 =	sadd.s32 $0xC800, s21  }
0x1d: {  	[hbm4b:s20+s4] =	stream.linear.scatter [tilespmem:s21], [sflag:$0x3], $0x100, $0x38;
	[tilespmem:$0x19000] =	vst v63  }
0x1e: {  	s18 =	sadd.s32 $0x1, s19;
	p0 =	seq.s32 s19, $0x3  }
0x1f: {  	s19 =	sadd.s32 @!p0 s7, s18  }
0x20: {  	s19 =	sshll.u32 @!p0 s19, $0x7  }
0x21: {  	s21 =	simm.s32 @!p0 $0x400;
	s19 =	sand.u32 @!p0 $0x1FFFFF80, s19  }
0x22: {  	s22 =	simm.s32 @!p0 $0x20000;
	s23 =	simm.s32 @!p0 $0x0;
	s20 =	sadd.s32 @!p0 s1, s19  }
0x23: {  	[tilespmem:s23], [sflag:$0x1] =	stream.strided.gather @!p0 [hbm4b:s20+s21], $0x6400, s22, s21, $0x38;
	[tilespmem:$0x19000] =	vst v63  }
0x24: {  	s19 =	sadd.s32 @!p0 s3, s19;
	s20 =	simm.s32 @!p0 $0x6400  }
0x25: {  	[tilespmem:s20], [sflag:$0x2] =	stream.strided.gather @!p0 [hbm4b:s19+s21], $0x6400, s22, s21, $0x38;
	[tilespmem:$0x19000] =	vst v63  }
0x26: {  	_ =	swait.ge [sflag:s15], $0x100  }
0x27: {  	s19 =	simm.s32 $0xC7;
	[sflag:s15] =	ssyncset.done $0x0  }
.LBB2_6:
0x28: {  	p0 =	seq.s32 s19, $0x1;
	s19 =	sadd.s32 $0xFFFFFFFF, s19;
	[sflag:s15] =	ssyncadd.s32 $0xFFFFFF00  }
.Ltmp1:
0x29: {  	(pc) =	sbr.rel @!p0 .LBB2_6-.Ltmp1, $3  }
0x2a: {  	_ =	sdelay $0x1  }
0x2b: {  	_ =	swait.ge [sflag:s15], $0x100  }
0x2c: {  	[sflag:s15] =	ssyncset.done $0x0  }
0x2d: {  	[sflag:s15] =	ssyncadd.s32 $0xFFFFFF00  }
0x2e: {  	p0 =	seq.s32 s18, $0x4  }
.Ltmp2:
0x2f: {  	_ = 	snop;
	(pc) =	sbr.rel @!p0 .LBB2_3-.Ltmp2, $2  }
0x30: {  	_ =	sdelay $0x2  }
0x31: {  	s17 =	sadd.s32 $0x20, s17  }
0x32: {  	s16 =	sadd.s32 $0x1, s16  }
0x33: {  	p0 =	sne.s32 s16, s8  }
.Ltmp3:
0x34: {  	_ = 	snop;
	(pc) =	sbr.rel @p0 .LBB2_1-.Ltmp3, $1  }
0x35: {  	_ =	sdelay $0x3  }
0x36: {  	_ =	sfence.sel $0x180000  }
0x37: {  	[bflag:$0x0] =	sbarrier.arrive $0xFFFF  }
0x38: {  	p0 =	sne.s32 s2, $0x0;
	_ =	strace $0x90000047  }
0x39: {  	s0 =	sadd.s32 @!p0 $0x100000, s0;
	[bflag:$0x2] =	sbarrier.arrive $0xFFFF  }
0x3a: {  	[sflag:s0] =	ssyncadd.tile.s32 @!p0 $0x1;
	_ =	shalt  }
.Lfunc_end2:
_tile_overlayer_lowered:
.L_overlay_start_2:
0x3b: {  	(tag) =	ssettag $0x2  }
0x3c: {  	s0 =	rddreg [dreg:$0x0];
	s2 =	stileid.u32  }
0x3d: {  	s1 =	rddreg [dreg:$0x1];
	p0 =	sne.s32 s2, $0x0  }
0x3e: {  	s3 =	rddreg [dreg:$0x2];
	[bflag:$0x3] =	sbarrier.arrive $0xFFFF;
	s2 =	simm.s32 @!p0 $0x1C04  }
0x3f: {  	[timem:s3], [sflag:s2] =	dma.local @!p0 [hbm:s0], s1  }
0x40: {  	s0 =	simm.s32 @!p0 $0x4  }
0x41: {  	_ =	swait.ge @!p0 [sflag:s0], s1  }
0x42: {  	s1 =	ssub.s32 @!p0 $0x0, s1;
	[sflag:s0] =	ssyncset.done @!p0 $0x0  }
0x43: {  	[sflag:s0] =	ssyncadd.s32 @!p0 s1  }
0x44: {  	[bflag:$0x3] =	sbarrier.arrive $0xFFFF  }
0x45: {  	_ =	shalt  }

</sc_bundles>
